<compile_context>
chip_gen: v7x
topology: tpu7x:2x2x1
jax: 0.10.2.dev20260603
libtpu: 0.0.44.dev20260713+nightly
codegen_flags: <defaults>
</compile_context>

<pallas_src>
import functools

import jax
import jax.numpy as jnp
from jax import lax
from jax.experimental import pallas as pl
from jax.experimental.pallas import tpu as pltpu
from jax.experimental.pallas import tpu_sc as plsc

B = 1048576
D = 64
NC = 2
NS = 16
NW = NC * NS
BPW = B // NW
CHUNK = 512
NCHUNK = BPW // CHUNK

_mesh = plsc.VectorSubcoreMesh(core_axis_name="c", subcore_axis_name="s")


@functools.partial(
    pl.kernel,
    out_type=jax.ShapeDtypeStruct((B, D), jnp.float32),
    mesh=_mesh,
    scratch_types=[
        pltpu.VMEM((BPW,), jnp.int32),
        pltpu.VMEM((2, CHUNK, D), jnp.float32),
        pltpu.SemaphoreType.DMA,
        pltpu.SemaphoreType.DMA,
        pltpu.SemaphoreType.DMA,
        pltpu.SemaphoreType.DMA,
    ],
    compiler_params=pltpu.CompilerParams(use_tc_tiling_on_sc=False),
)
def _gather_kernel(idx_hbm, table_hbm, out_hbm, idx_all, rows_v,
                   sg0, sg1, ss0, ss1):
    wid = lax.axis_index("s") * NC + lax.axis_index("c")
    base = wid * BPW
    sg = (sg0, sg1)
    ss = (ss0, ss1)

    pltpu.sync_copy(idx_hbm.at[pl.ds(base, BPW)], idx_all)

    def gather(c, b):
        return pltpu.make_async_copy(
            table_hbm.at[idx_all.at[pl.ds(c * CHUNK, CHUNK)]],
            rows_v.at[b], sg[b])

    def store(c, b):
        return pltpu.make_async_copy(
            rows_v.at[b], out_hbm.at[pl.ds(base + c * CHUNK, CHUNK)], ss[b])

    gather(0, 0).start()

    gather(0, 0).wait()
    store(0, 0).start()
    gather(1, 1).start()

    def body(j, carry):
        i = 1 + 2 * j
        for k in range(2):
            c = i + k
            b = (1 + k) % 2
            nb = 1 - b
            gather(c, b).wait()
            store(c, b).start()
            store(c - 1, nb).wait()
            gather(c + 1, nb).start()
        return carry

    lax.fori_loop(0, (NCHUNK - 2) // 2, body, 0)

    last = NCHUNK - 1
    gather(last, 1).wait()
    store(last - 1, 0).wait()
    store(last, 1).start()
    store(last, 1).wait()


def kernel(indexes, codebook):
    return _gather_kernel(indexes, codebook)

# --- scband reference (transcript-rebuilt; emitter-appended) ---
"""Pipeline reference for scband-quantized-params-39101382262947 (READ-ONLY COPY).

The authoritative reference and input builder live on the scoring server;
editing this copy changes nothing except your own understanding.
"""

import jax, jax.numpy as jnp
import numpy as np


def setup_inputs(seed: int = 0) -> dict:
    key = jax.random.key(seed)
    k1, k2 = jax.random.split(key)
    indexes = jax.random.randint(k1, (1048576,), 0, 8192, dtype=jnp.int32)
    codebook = jax.random.normal(k2, (8192, 64), dtype=jnp.float32)
    return {"indexes": indexes, "codebook": codebook}


def reference(indexes, codebook):
    # Faithful translation of QuantizedParams.forward():
    #   return self.codebook[self.indexes.to(torch.int32)]
    idx = indexes.astype(jnp.int32)
    return jnp.take(codebook, idx, axis=0)

if __name__ == "__main__":
    import jax
    _d = setup_inputs()
    print(jax.jit(kernel)(*tuple(_d.values())))

</pallas_src>

<mosaic_0001>
#map = affine_map<(d0, d1) -> (0)>
#map1 = affine_map<(d0, d1) -> (0, 0)>
module attributes {stable_mosaic.version = 14 : i64} {
  func.func @_gather_kernel(%arg0: i32, %arg1: i32, %arg2: memref<1048576xi32, #tpu.memory_space<hbm>>, %arg3: memref<8192x64xf32, #tpu.memory_space<hbm>>, %arg4: memref<1048576x64xf32, #tpu.memory_space<hbm>>, %arg5: memref<32768xi32, #tpu.memory_space<vmem>>, %arg6: memref<2x512x64xf32, #tpu.memory_space<vmem>>, %arg7: memref<!tpu.dma_semaphore, #tpu.memory_space<semaphore_mem>>, %arg8: memref<!tpu.dma_semaphore, #tpu.memory_space<semaphore_mem>>, %arg9: memref<!tpu.dma_semaphore, #tpu.memory_space<semaphore_mem>>, %arg10: memref<!tpu.dma_semaphore, #tpu.memory_space<semaphore_mem>>) attributes {dimension_semantics = [#tpu.dimension_semantics<core_parallel>, #tpu.dimension_semantics<subcore_parallel>], iteration_bounds = array<i64: 2, 16>, scalar_prefetch = 0 : i64, scratch_operands = 6 : i64, tpu.core_type = #tpu.core_type<sc_vector_subcore>, window_params = [{transform_indices = #map}, {transform_indices = #map1}, {transform_indices = #map1}]} {
    %mul3A = arith.constant 2 : i32
    %mul3A_0 = arith.muli %arg1, %mul3A : i32
    %add3A = arith.addi %mul3A_0, %arg0 : i32
    %mul3A_1 = arith.constant 32768 : i32
    %mul3A_2 = arith.muli %add3A, %mul3A_1 : i32
    "tpu.region"() ({
      %run_scoped3A = tpu.sem_alloc : memref<!tpu.dma_semaphore, #tpu.memory_space<semaphore_mem>>
      %dma_start3A_106 = tpu.memref_slice %arg2[%mul3A_2] : memref<1048576xi32, #tpu.memory_space<hbm>> -> memref<32768xi32, #tpu.memory_space<hbm>>
      %dma_start3A_107 = tpu.memref_slice %arg2[%mul3A_2] : memref<1048576xi32, #tpu.memory_space<hbm>> -> memref<32768xi32, #tpu.memory_space<hbm>>
      tpu.enqueue_dma source(%dma_start3A_107 : memref<32768xi32, #tpu.memory_space<hbm>>) target(%arg5 : memref<32768xi32, #tpu.memory_space<vmem>>) target_semaphore(%run_scoped3A : memref<!tpu.dma_semaphore, #tpu.memory_space<semaphore_mem>>)
      %dma_wait3A_108 = tpu.memref_slice %arg2[%mul3A_2] : memref<1048576xi32, #tpu.memory_space<hbm>> -> memref<32768xi32, #tpu.memory_space<hbm>>
      %dma_wait3A_109 = tpu.memref_slice %arg2[%mul3A_2] : memref<1048576xi32, #tpu.memory_space<hbm>> -> memref<32768xi32, #tpu.memory_space<hbm>>
      tpu.wait_dma2 semaphore(%run_scoped3A : memref<!tpu.dma_semaphore, #tpu.memory_space<semaphore_mem>>) src(%dma_wait3A_109 : memref<32768xi32, #tpu.memory_space<hbm>>) dst(%arg5 : memref<32768xi32, #tpu.memory_space<vmem>>)
      tpu.yield
    }) : () -> ()
    %dma_start3A = arith.constant 0 : i32
    %dma_start3A_3 = arith.constant 0 : i32
    %dma_start3A_4 = arith.constant 0 : i32
    %dma_start3A_5 = tpu.memref_slice %arg6[%dma_start3A, %dma_start3A_3, %dma_start3A_4] : memref<2x512x64xf32, #tpu.memory_space<vmem>> -> memref<1x512x64xf32, #tpu.memory_space<vmem>>
    %dma_start3A_6 = tpu.memref_squeeze %dma_start3A_5 : memref<1x512x64xf32, #tpu.memory_space<vmem>> -> memref<512x64xf32, #tpu.memory_space<vmem>>
    %dma_start3A_7 = arith.constant 0 : i32
    %dma_start3A_8 = tpu.memref_slice %arg5[%dma_start3A_7] : memref<32768xi32, #tpu.memory_space<vmem>> -> memref<512xi32, #tpu.memory_space<vmem>>
    %dma_start3A_9 = arith.constant 0 : i32
    %dma_start3A_10 = arith.constant 0 : i32
    %dma_start3A_11 = tpu.memref_slice %arg3[%dma_start3A_9, %dma_start3A_10] : memref<8192x64xf32, #tpu.memory_space<hbm>> -> memref<8192x64xf32, #tpu.memory_space<hbm>>
    tpu.enqueue_indirect_dma source(%dma_start3A_11 : memref<8192x64xf32, #tpu.memory_space<hbm>>) target(%dma_start3A_6 : memref<512x64xf32, #tpu.memory_space<vmem>>) offsets(%dma_start3A_8 : memref<512xi32, #tpu.memory_space<vmem>>) semaphore(%arg7 : memref<!tpu.dma_semaphore, #tpu.memory_space<semaphore_mem>>)
    %dma_wait3A = arith.constant 0 : i32
    %dma_wait3A_12 = arith.constant 0 : i32
    %dma_wait3A_13 = arith.constant 0 : i32
    %dma_wait3A_14 = tpu.memref_slice %arg6[%dma_wait3A, %dma_wait3A_12, %dma_wait3A_13] : memref<2x512x64xf32, #tpu.memory_space<vmem>> -> memref<1x512x64xf32, #tpu.memory_space<vmem>>
    %dma_wait3A_15 = tpu.memref_squeeze %dma_wait3A_14 : memref<1x512x64xf32, #tpu.memory_space<vmem>> -> memref<512x64xf32, #tpu.memory_space<vmem>>
    %dma_wait3A_16 = arith.constant 0 : i32
    %dma_wait3A_17 = tpu.memref_slice %arg5[%dma_wait3A_16] : memref<32768xi32, #tpu.memory_space<vmem>> -> memref<512xi32, #tpu.memory_space<vmem>>
    %dma_wait3A_18 = arith.constant 0 : i32
    %dma_wait3A_19 = arith.constant 0 : i32
    %dma_wait3A_20 = tpu.memref_slice %arg3[%dma_wait3A_18, %dma_wait3A_19] : memref<8192x64xf32, #tpu.memory_space<hbm>> -> memref<8192x64xf32, #tpu.memory_space<hbm>>
    tpu.wait_indirect_dma semaphore(%arg7 : memref<!tpu.dma_semaphore, #tpu.memory_space<semaphore_mem>>) src(%dma_wait3A_20 : memref<8192x64xf32, #tpu.memory_space<hbm>>) dst(%dma_wait3A_15 : memref<512x64xf32, #tpu.memory_space<vmem>>)
    %add3A_21 = arith.constant 0 : i32
    %add3A_22 = arith.addi %mul3A_2, %add3A_21 : i32
    %dma_start3A_23 = arith.constant 0 : i32
    %dma_start3A_24 = arith.constant 0 : i32
    %dma_start3A_25 = arith.constant 0 : i32
    %dma_start3A_26 = tpu.memref_slice %arg6[%dma_start3A_23, %dma_start3A_24, %dma_start3A_25] : memref<2x512x64xf32, #tpu.memory_space<vmem>> -> memref<1x512x64xf32, #tpu.memory_space<vmem>>
    %dma_start3A_27 = tpu.memref_squeeze %dma_start3A_26 : memref<1x512x64xf32, #tpu.memory_space<vmem>> -> memref<512x64xf32, #tpu.memory_space<vmem>>
    %dma_start3A_28 = arith.constant 0 : i32
    %dma_start3A_29 = tpu.memref_slice %arg4[%add3A_22, %dma_start3A_28] : memref<1048576x64xf32, #tpu.memory_space<hbm>> -> memref<512x64xf32, #tpu.memory_space<hbm>>
    %dma_start3A_30 = arith.constant 0 : i32
    %dma_start3A_31 = tpu.memref_slice %arg4[%add3A_22, %dma_start3A_30] : memref<1048576x64xf32, #tpu.memory_space<hbm>> -> memref<512x64xf32, #tpu.memory_space<hbm>>
    %dma_start3A_32 = arith.constant 0 : i32
    %dma_start3A_33 = arith.constant 0 : i32
    %dma_start3A_34 = tpu.memref_slice %arg6[%dma_start3A_23, %dma_start3A_32, %dma_start3A_33] : memref<2x512x64xf32, #tpu.memory_space<vmem>> -> memref<1x512x64xf32, #tpu.memory_space<vmem>>
    %dma_start3A_35 = tpu.memref_squeeze %dma_start3A_34 : memref<1x512x64xf32, #tpu.memory_space<vmem>> -> memref<512x64xf32, #tpu.memory_space<vmem>>
    tpu.enqueue_dma source(%dma_start3A_35 : memref<512x64xf32, #tpu.memory_space<vmem>>) target(%dma_start3A_31 : memref<512x64xf32, #tpu.memory_space<hbm>>) target_semaphore(%arg9 : memref<!tpu.dma_semaphore, #tpu.memory_space<semaphore_mem>>)
    %dma_start3A_36 = arith.constant 1 : i32
    %dma_start3A_37 = arith.constant 0 : i32
    %dma_start3A_38 = arith.constant 0 : i32
    %dma_start3A_39 = tpu.memref_slice %arg6[%dma_start3A_36, %dma_start3A_37, %dma_start3A_38] : memref<2x512x64xf32, #tpu.memory_space<vmem>> -> memref<1x512x64xf32, #tpu.memory_space<vmem>>
    %dma_start3A_40 = tpu.memref_squeeze %dma_start3A_39 : memref<1x512x64xf32, #tpu.memory_space<vmem>> -> memref<512x64xf32, #tpu.memory_space<vmem>>
    %dma_start3A_41 = arith.constant 512 : i32
    %dma_start3A_42 = tpu.memref_slice %arg5[%dma_start3A_41] : memref<32768xi32, #tpu.memory_space<vmem>> -> memref<512xi32, #tpu.memory_space<vmem>>
    %dma_start3A_43 = arith.constant 0 : i32
    %dma_start3A_44 = arith.constant 0 : i32
    %dma_start3A_45 = tpu.memref_slice %arg3[%dma_start3A_43, %dma_start3A_44] : memref<8192x64xf32, #tpu.memory_space<hbm>> -> memref<8192x64xf32, #tpu.memory_space<hbm>>
    tpu.enqueue_indirect_dma source(%dma_start3A_45 : memref<8192x64xf32, #tpu.memory_space<hbm>>) target(%dma_start3A_40 : memref<512x64xf32, #tpu.memory_space<vmem>>) offsets(%dma_start3A_42 : memref<512xi32, #tpu.memory_space<vmem>>) semaphore(%arg8 : memref<!tpu.dma_semaphore, #tpu.memory_space<semaphore_mem>>)
    %scan3A = arith.constant 0 : i32
    %scan3A_46 = arith.constant 0 : i32
    %scan3A_47 = arith.constant 31 : i32
    %scan3A_48 = arith.addi %scan3A_46, %scan3A_47 : i32
    %scan3A_49 = arith.constant 1 : i32
    scf.for %scan3A_106 = %scan3A_46 to %scan3A_48 step %scan3A_49  : i32 {
      %mul3A_107 = arith.constant 2 : i32
      %mul3A_108 = arith.muli %mul3A_107, %scan3A_106 : i32
      %add3A_109 = arith.constant 1 : i32
      %add3A_110 = arith.addi %add3A_109, %mul3A_108 : i32
      %add3A_111 = arith.constant 0 : i32
      %add3A_112 = arith.addi %add3A_110, %add3A_111 : i32
      %mul3A_113 = arith.constant 512 : i32
      %mul3A_114 = arith.muli %add3A_112, %mul3A_113 : i32
      %dma_wait3A_115 = arith.constant 1 : i32
      %dma_wait3A_116 = arith.constant 0 : i32
      %dma_wait3A_117 = arith.constant 0 : i32
      %dma_wait3A_118 = tpu.memref_slice %arg6[%dma_wait3A_115, %dma_wait3A_116, %dma_wait3A_117] : memref<2x512x64xf32, #tpu.memory_space<vmem>> -> memref<1x512x64xf32, #tpu.memory_space<vmem>>
      %dma_wait3A_119 = tpu.memref_squeeze %dma_wait3A_118 : memref<1x512x64xf32, #tpu.memory_space<vmem>> -> memref<512x64xf32, #tpu.memory_space<vmem>>
      %dma_wait3A_120 = tpu.memref_slice %arg5[%mul3A_114] : memref<32768xi32, #tpu.memory_space<vmem>> -> memref<512xi32, #tpu.memory_space<vmem>>
      %dma_wait3A_121 = arith.constant 0 : i32
      %dma_wait3A_122 = arith.constant 0 : i32
      %dma_wait3A_123 = tpu.memref_slice %arg3[%dma_wait3A_121, %dma_wait3A_122] : memref<8192x64xf32, #tpu.memory_space<hbm>> -> memref<8192x64xf32, #tpu.memory_space<hbm>>
      tpu.wait_indirect_dma semaphore(%arg8 : memref<!tpu.dma_semaphore, #tpu.memory_space<semaphore_mem>>) src(%dma_wait3A_123 : memref<8192x64xf32, #tpu.memory_space<hbm>>) dst(%dma_wait3A_119 : memref<512x64xf32, #tpu.memory_space<vmem>>)
      %mul3A_124 = arith.constant 512 : i32
      %mul3A_125 = arith.muli %add3A_112, %mul3A_124 : i32
      %add3A_126 = arith.addi %mul3A_2, %mul3A_125 : i32
      %dma_start3A_127 = arith.constant 1 : i32
      %dma_start3A_128 = arith.constant 0 : i32
      %dma_start3A_129 = arith.constant 0 : i32
      %dma_start3A_130 = tpu.memref_slice %arg6[%dma_start3A_127, %dma_start3A_128, %dma_start3A_129] : memref<2x512x64xf32, #tpu.memory_space<vmem>> -> memref<1x512x64xf32, #tpu.memory_space<vmem>>
      %dma_start3A_131 = tpu.memref_squeeze %dma_start3A_130 : memref<1x512x64xf32, #tpu.memory_space<vmem>> -> memref<512x64xf32, #tpu.memory_space<vmem>>
      %dma_start3A_132 = arith.constant 0 : i32
      %dma_start3A_133 = tpu.memref_slice %arg4[%add3A_126, %dma_start3A_132] : memref<1048576x64xf32, #tpu.memory_space<hbm>> -> memref<512x64xf32, #tpu.memory_space<hbm>>
      %dma_start3A_134 = arith.constant 0 : i32
      %dma_start3A_135 = tpu.memref_slice %arg4[%add3A_126, %dma_start3A_134] : memref<1048576x64xf32, #tpu.memory_space<hbm>> -> memref<512x64xf32, #tpu.memory_space<hbm>>
      %dma_start3A_136 = arith.constant 0 : i32
      %dma_start3A_137 = arith.constant 0 : i32
      %dma_start3A_138 = tpu.memref_slice %arg6[%dma_start3A_127, %dma_start3A_136, %dma_start3A_137] : memref<2x512x64xf32, #tpu.memory_space<vmem>> -> memref<1x512x64xf32, #tpu.memory_space<vmem>>
      %dma_start3A_139 = tpu.memref_squeeze %dma_start3A_138 : memref<1x512x64xf32, #tpu.memory_space<vmem>> -> memref<512x64xf32, #tpu.memory_space<vmem>>
      tpu.enqueue_dma source(%dma_start3A_139 : memref<512x64xf32, #tpu.memory_space<vmem>>) target(%dma_start3A_135 : memref<512x64xf32, #tpu.memory_space<hbm>>) target_semaphore(%arg10 : memref<!tpu.dma_semaphore, #tpu.memory_space<semaphore_mem>>)
      %sub3A = arith.constant 1 : i32
      %sub3A_140 = arith.subi %add3A_112, %sub3A : i32
      %mul3A_141 = arith.constant 512 : i32
      %mul3A_142 = arith.muli %sub3A_140, %mul3A_141 : i32
      %add3A_143 = arith.addi %mul3A_2, %mul3A_142 : i32
      %dma_wait3A_144 = arith.constant 0 : i32
      %dma_wait3A_145 = arith.constant 0 : i32
      %dma_wait3A_146 = arith.constant 0 : i32
      %dma_wait3A_147 = tpu.memref_slice %arg6[%dma_wait3A_144, %dma_wait3A_145, %dma_wait3A_146] : memref<2x512x64xf32, #tpu.memory_space<vmem>> -> memref<1x512x64xf32, #tpu.memory_space<vmem>>
      %dma_wait3A_148 = tpu.memref_squeeze %dma_wait3A_147 : memref<1x512x64xf32, #tpu.memory_space<vmem>> -> memref<512x64xf32, #tpu.memory_space<vmem>>
      %dma_wait3A_149 = arith.constant 0 : i32
      %dma_wait3A_150 = tpu.memref_slice %arg4[%add3A_143, %dma_wait3A_149] : memref<1048576x64xf32, #tpu.memory_space<hbm>> -> memref<512x64xf32, #tpu.memory_space<hbm>>
      %dma_wait3A_151 = arith.constant 0 : i32
      %dma_wait3A_152 = tpu.memref_slice %arg4[%add3A_143, %dma_wait3A_151] : memref<1048576x64xf32, #tpu.memory_space<hbm>> -> memref<512x64xf32, #tpu.memory_space<hbm>>
      %dma_wait3A_153 = arith.constant 0 : i32
      %dma_wait3A_154 = arith.constant 0 : i32
      %dma_wait3A_155 = tpu.memref_slice %arg6[%dma_wait3A_144, %dma_wait3A_153, %dma_wait3A_154] : memref<2x512x64xf32, #tpu.memory_space<vmem>> -> memref<1x512x64xf32, #tpu.memory_space<vmem>>
      %dma_wait3A_156 = tpu.memref_squeeze %dma_wait3A_155 : memref<1x512x64xf32, #tpu.memory_space<vmem>> -> memref<512x64xf32, #tpu.memory_space<vmem>>
      tpu.wait_dma2 semaphore(%arg9 : memref<!tpu.dma_semaphore, #tpu.memory_space<semaphore_mem>>) src(%dma_wait3A_156 : memref<512x64xf32, #tpu.memory_space<vmem>>) dst(%dma_wait3A_152 : memref<512x64xf32, #tpu.memory_space<hbm>>)
      %add3A_157 = arith.constant 1 : i32
      %add3A_158 = arith.addi %add3A_112, %add3A_157 : i32
      %mul3A_159 = arith.constant 512 : i32
      %mul3A_160 = arith.muli %add3A_158, %mul3A_159 : i32
      %dma_start3A_161 = arith.constant 0 : i32
      %dma_start3A_162 = arith.constant 0 : i32
      %dma_start3A_163 = arith.constant 0 : i32
      %dma_start3A_164 = tpu.memref_slice %arg6[%dma_start3A_161, %dma_start3A_162, %dma_start3A_163] : memref<2x512x64xf32, #tpu.memory_space<vmem>> -> memref<1x512x64xf32, #tpu.memory_space<vmem>>
      %dma_start3A_165 = tpu.memref_squeeze %dma_start3A_164 : memref<1x512x64xf32, #tpu.memory_space<vmem>> -> memref<512x64xf32, #tpu.memory_space<vmem>>
      %dma_start3A_166 = tpu.memref_slice %arg5[%mul3A_160] : memref<32768xi32, #tpu.memory_space<vmem>> -> memref<512xi32, #tpu.memory_space<vmem>>
      %dma_start3A_167 = arith.constant 0 : i32
      %dma_start3A_168 = arith.constant 0 : i32
      %dma_start3A_169 = tpu.memref_slice %arg3[%dma_start3A_167, %dma_start3A_168] : memref<8192x64xf32, #tpu.memory_space<hbm>> -> memref<8192x64xf32, #tpu.memory_space<hbm>>
      tpu.enqueue_indirect_dma source(%dma_start3A_169 : memref<8192x64xf32, #tpu.memory_space<hbm>>) target(%dma_start3A_165 : memref<512x64xf32, #tpu.memory_space<vmem>>) offsets(%dma_start3A_166 : memref<512xi32, #tpu.memory_space<vmem>>) semaphore(%arg7 : memref<!tpu.dma_semaphore, #tpu.memory_space<semaphore_mem>>)
      %add3A_170 = arith.constant 1 : i32
      %add3A_171 = arith.addi %add3A_110, %add3A_170 : i32
      %mul3A_172 = arith.constant 512 : i32
      %mul3A_173 = arith.muli %add3A_171, %mul3A_172 : i32
      %dma_wait3A_174 = arith.constant 0 : i32
      %dma_wait3A_175 = arith.constant 0 : i32
      %dma_wait3A_176 = arith.constant 0 : i32
      %dma_wait3A_177 = tpu.memref_slice %arg6[%dma_wait3A_174, %dma_wait3A_175, %dma_wait3A_176] : memref<2x512x64xf32, #tpu.memory_space<vmem>> -> memref<1x512x64xf32, #tpu.memory_space<vmem>>
      %dma_wait3A_178 = tpu.memref_squeeze %dma_wait3A_177 : memref<1x512x64xf32, #tpu.memory_space<vmem>> -> memref<512x64xf32, #tpu.memory_space<vmem>>
      %dma_wait3A_179 = tpu.memref_slice %arg5[%mul3A_173] : memref<32768xi32, #tpu.memory_space<vmem>> -> memref<512xi32, #tpu.memory_space<vmem>>
      %dma_wait3A_180 = arith.constant 0 : i32
      %dma_wait3A_181 = arith.constant 0 : i32
      %dma_wait3A_182 = tpu.memref_slice %arg3[%dma_wait3A_180, %dma_wait3A_181] : memref<8192x64xf32, #tpu.memory_space<hbm>> -> memref<8192x64xf32, #tpu.memory_space<hbm>>
      tpu.wait_indirect_dma semaphore(%arg7 : memref<!tpu.dma_semaphore, #tpu.memory_space<semaphore_mem>>) src(%dma_wait3A_182 : memref<8192x64xf32, #tpu.memory_space<hbm>>) dst(%dma_wait3A_178 : memref<512x64xf32, #tpu.memory_space<vmem>>)
      %mul3A_183 = arith.constant 512 : i32
      %mul3A_184 = arith.muli %add3A_171, %mul3A_183 : i32
      %add3A_185 = arith.addi %mul3A_2, %mul3A_184 : i32
      %dma_start3A_186 = arith.constant 0 : i32
      %dma_start3A_187 = arith.constant 0 : i32
      %dma_start3A_188 = arith.constant 0 : i32
      %dma_start3A_189 = tpu.memref_slice %arg6[%dma_start3A_186, %dma_start3A_187, %dma_start3A_188] : memref<2x512x64xf32, #tpu.memory_space<vmem>> -> memref<1x512x64xf32, #tpu.memory_space<vmem>>
      %dma_start3A_190 = tpu.memref_squeeze %dma_start3A_189 : memref<1x512x64xf32, #tpu.memory_space<vmem>> -> memref<512x64xf32, #tpu.memory_space<vmem>>
      %dma_start3A_191 = arith.constant 0 : i32
      %dma_start3A_192 = tpu.memref_slice %arg4[%add3A_185, %dma_start3A_191] : memref<1048576x64xf32, #tpu.memory_space<hbm>> -> memref<512x64xf32, #tpu.memory_space<hbm>>
      %dma_start3A_193 = arith.constant 0 : i32
      %dma_start3A_194 = tpu.memref_slice %arg4[%add3A_185, %dma_start3A_193] : memref<1048576x64xf32, #tpu.memory_space<hbm>> -> memref<512x64xf32, #tpu.memory_space<hbm>>
      %dma_start3A_195 = arith.constant 0 : i32
      %dma_start3A_196 = arith.constant 0 : i32
      %dma_start3A_197 = tpu.memref_slice %arg6[%dma_start3A_186, %dma_start3A_195, %dma_start3A_196] : memref<2x512x64xf32, #tpu.memory_space<vmem>> -> memref<1x512x64xf32, #tpu.memory_space<vmem>>
      %dma_start3A_198 = tpu.memref_squeeze %dma_start3A_197 : memref<1x512x64xf32, #tpu.memory_space<vmem>> -> memref<512x64xf32, #tpu.memory_space<vmem>>
      tpu.enqueue_dma source(%dma_start3A_198 : memref<512x64xf32, #tpu.memory_space<vmem>>) target(%dma_start3A_194 : memref<512x64xf32, #tpu.memory_space<hbm>>) target_semaphore(%arg9 : memref<!tpu.dma_semaphore, #tpu.memory_space<semaphore_mem>>)
      %sub3A_199 = arith.constant 1 : i32
      %sub3A_200 = arith.subi %add3A_171, %sub3A_199 : i32
      %mul3A_201 = arith.constant 512 : i32
      %mul3A_202 = arith.muli %sub3A_200, %mul3A_201 : i32
      %add3A_203 = arith.addi %mul3A_2, %mul3A_202 : i32
      %dma_wait3A_204 = arith.constant 1 : i32
      %dma_wait3A_205 = arith.constant 0 : i32
      %dma_wait3A_206 = arith.constant 0 : i32
      %dma_wait3A_207 = tpu.memref_slice %arg6[%dma_wait3A_204, %dma_wait3A_205, %dma_wait3A_206] : memref<2x512x64xf32, #tpu.memory_space<vmem>> -> memref<1x512x64xf32, #tpu.memory_space<vmem>>
      %dma_wait3A_208 = tpu.memref_squeeze %dma_wait3A_207 : memref<1x512x64xf32, #tpu.memory_space<vmem>> -> memref<512x64xf32, #tpu.memory_space<vmem>>
      %dma_wait3A_209 = arith.constant 0 : i32
      %dma_wait3A_210 = tpu.memref_slice %arg4[%add3A_203, %dma_wait3A_209] : memref<1048576x64xf32, #tpu.memory_space<hbm>> -> memref<512x64xf32, #tpu.memory_space<hbm>>
      %dma_wait3A_211 = arith.constant 0 : i32
      %dma_wait3A_212 = tpu.memref_slice %arg4[%add3A_203, %dma_wait3A_211] : memref<1048576x64xf32, #tpu.memory_space<hbm>> -> memref<512x64xf32, #tpu.memory_space<hbm>>
      %dma_wait3A_213 = arith.constant 0 : i32
      %dma_wait3A_214 = arith.constant 0 : i32
      %dma_wait3A_215 = tpu.memref_slice %arg6[%dma_wait3A_204, %dma_wait3A_213, %dma_wait3A_214] : memref<2x512x64xf32, #tpu.memory_space<vmem>> -> memref<1x512x64xf32, #tpu.memory_space<vmem>>
      %dma_wait3A_216 = tpu.memref_squeeze %dma_wait3A_215 : memref<1x512x64xf32, #tpu.memory_space<vmem>> -> memref<512x64xf32, #tpu.memory_space<vmem>>
      tpu.wait_dma2 semaphore(%arg10 : memref<!tpu.dma_semaphore, #tpu.memory_space<semaphore_mem>>) src(%dma_wait3A_216 : memref<512x64xf32, #tpu.memory_space<vmem>>) dst(%dma_wait3A_212 : memref<512x64xf32, #tpu.memory_space<hbm>>)
      %add3A_217 = arith.constant 1 : i32
      %add3A_218 = arith.addi %add3A_171, %add3A_217 : i32
      %mul3A_219 = arith.constant 512 : i32
      %mul3A_220 = arith.muli %add3A_218, %mul3A_219 : i32
      %dma_start3A_221 = arith.constant 1 : i32
      %dma_start3A_222 = arith.constant 0 : i32
      %dma_start3A_223 = arith.constant 0 : i32
      %dma_start3A_224 = tpu.memref_slice %arg6[%dma_start3A_221, %dma_start3A_222, %dma_start3A_223] : memref<2x512x64xf32, #tpu.memory_space<vmem>> -> memref<1x512x64xf32, #tpu.memory_space<vmem>>
      %dma_start3A_225 = tpu.memref_squeeze %dma_start3A_224 : memref<1x512x64xf32, #tpu.memory_space<vmem>> -> memref<512x64xf32, #tpu.memory_space<vmem>>
      %dma_start3A_226 = tpu.memref_slice %arg5[%mul3A_220] : memref<32768xi32, #tpu.memory_space<vmem>> -> memref<512xi32, #tpu.memory_space<vmem>>
      %dma_start3A_227 = arith.constant 0 : i32
      %dma_start3A_228 = arith.constant 0 : i32
      %dma_start3A_229 = tpu.memref_slice %arg3[%dma_start3A_227, %dma_start3A_228] : memref<8192x64xf32, #tpu.memory_space<hbm>> -> memref<8192x64xf32, #tpu.memory_space<hbm>>
      tpu.enqueue_indirect_dma source(%dma_start3A_229 : memref<8192x64xf32, #tpu.memory_space<hbm>>) target(%dma_start3A_225 : memref<512x64xf32, #tpu.memory_space<vmem>>) offsets(%dma_start3A_226 : memref<512xi32, #tpu.memory_space<vmem>>) semaphore(%arg8 : memref<!tpu.dma_semaphore, #tpu.memory_space<semaphore_mem>>)
    }
    %scan3A_50 = arith.constant 31 : i32
    %dma_wait3A_51 = arith.constant 1 : i32
    %dma_wait3A_52 = arith.constant 0 : i32
    %dma_wait3A_53 = arith.constant 0 : i32
    %dma_wait3A_54 = tpu.memref_slice %arg6[%dma_wait3A_51, %dma_wait3A_52, %dma_wait3A_53] : memref<2x512x64xf32, #tpu.memory_space<vmem>> -> memref<1x512x64xf32, #tpu.memory_space<vmem>>
    %dma_wait3A_55 = tpu.memref_squeeze %dma_wait3A_54 : memref<1x512x64xf32, #tpu.memory_space<vmem>> -> memref<512x64xf32, #tpu.memory_space<vmem>>
    %dma_wait3A_56 = arith.constant 32256 : i32
    %dma_wait3A_57 = tpu.memref_slice %arg5[%dma_wait3A_56] : memref<32768xi32, #tpu.memory_space<vmem>> -> memref<512xi32, #tpu.memory_space<vmem>>
    %dma_wait3A_58 = arith.constant 0 : i32
    %dma_wait3A_59 = arith.constant 0 : i32
    %dma_wait3A_60 = tpu.memref_slice %arg3[%dma_wait3A_58, %dma_wait3A_59] : memref<8192x64xf32, #tpu.memory_space<hbm>> -> memref<8192x64xf32, #tpu.memory_space<hbm>>
    tpu.wait_indirect_dma semaphore(%arg8 : memref<!tpu.dma_semaphore, #tpu.memory_space<semaphore_mem>>) src(%dma_wait3A_60 : memref<8192x64xf32, #tpu.memory_space<hbm>>) dst(%dma_wait3A_55 : memref<512x64xf32, #tpu.memory_space<vmem>>)
    %add3A_61 = arith.constant 31744 : i32
    %add3A_62 = arith.addi %mul3A_2, %add3A_61 : i32
    %dma_wait3A_63 = arith.constant 0 : i32
    %dma_wait3A_64 = arith.constant 0 : i32
    %dma_wait3A_65 = arith.constant 0 : i32
    %dma_wait3A_66 = tpu.memref_slice %arg6[%dma_wait3A_63, %dma_wait3A_64, %dma_wait3A_65] : memref<2x512x64xf32, #tpu.memory_space<vmem>> -> memref<1x512x64xf32, #tpu.memory_space<vmem>>
    %dma_wait3A_67 = tpu.memref_squeeze %dma_wait3A_66 : memref<1x512x64xf32, #tpu.memory_space<vmem>> -> memref<512x64xf32, #tpu.memory_space<vmem>>
    %dma_wait3A_68 = arith.constant 0 : i32
    %dma_wait3A_69 = tpu.memref_slice %arg4[%add3A_62, %dma_wait3A_68] : memref<1048576x64xf32, #tpu.memory_space<hbm>> -> memref<512x64xf32, #tpu.memory_space<hbm>>
    %dma_wait3A_70 = arith.constant 0 : i32
    %dma_wait3A_71 = tpu.memref_slice %arg4[%add3A_62, %dma_wait3A_70] : memref<1048576x64xf32, #tpu.memory_space<hbm>> -> memref<512x64xf32, #tpu.memory_space<hbm>>
    %dma_wait3A_72 = arith.constant 0 : i32
    %dma_wait3A_73 = arith.constant 0 : i32
    %dma_wait3A_74 = tpu.memref_slice %arg6[%dma_wait3A_63, %dma_wait3A_72, %dma_wait3A_73] : memref<2x512x64xf32, #tpu.memory_space<vmem>> -> memref<1x512x64xf32, #tpu.memory_space<vmem>>
    %dma_wait3A_75 = tpu.memref_squeeze %dma_wait3A_74 : memref<1x512x64xf32, #tpu.memory_space<vmem>> -> memref<512x64xf32, #tpu.memory_space<vmem>>
    tpu.wait_dma2 semaphore(%arg9 : memref<!tpu.dma_semaphore, #tpu.memory_space<semaphore_mem>>) src(%dma_wait3A_75 : memref<512x64xf32, #tpu.memory_space<vmem>>) dst(%dma_wait3A_71 : memref<512x64xf32, #tpu.memory_space<hbm>>)
    %add3A_76 = arith.constant 32256 : i32
    %add3A_77 = arith.addi %mul3A_2, %add3A_76 : i32
    %dma_start3A_78 = arith.constant 1 : i32
    %dma_start3A_79 = arith.constant 0 : i32
    %dma_start3A_80 = arith.constant 0 : i32
    %dma_start3A_81 = tpu.memref_slice %arg6[%dma_start3A_78, %dma_start3A_79, %dma_start3A_80] : memref<2x512x64xf32, #tpu.memory_space<vmem>> -> memref<1x512x64xf32, #tpu.memory_space<vmem>>
    %dma_start3A_82 = tpu.memref_squeeze %dma_start3A_81 : memref<1x512x64xf32, #tpu.memory_space<vmem>> -> memref<512x64xf32, #tpu.memory_space<vmem>>
    %dma_start3A_83 = arith.constant 0 : i32
    %dma_start3A_84 = tpu.memref_slice %arg4[%add3A_77, %dma_start3A_83] : memref<1048576x64xf32, #tpu.memory_space<hbm>> -> memref<512x64xf32, #tpu.memory_space<hbm>>
    %dma_start3A_85 = arith.constant 0 : i32
    %dma_start3A_86 = tpu.memref_slice %arg4[%add3A_77, %dma_start3A_85] : memref<1048576x64xf32, #tpu.memory_space<hbm>> -> memref<512x64xf32, #tpu.memory_space<hbm>>
    %dma_start3A_87 = arith.constant 0 : i32
    %dma_start3A_88 = arith.constant 0 : i32
    %dma_start3A_89 = tpu.memref_slice %arg6[%dma_start3A_78, %dma_start3A_87, %dma_start3A_88] : memref<2x512x64xf32, #tpu.memory_space<vmem>> -> memref<1x512x64xf32, #tpu.memory_space<vmem>>
    %dma_start3A_90 = tpu.memref_squeeze %dma_start3A_89 : memref<1x512x64xf32, #tpu.memory_space<vmem>> -> memref<512x64xf32, #tpu.memory_space<vmem>>
    tpu.enqueue_dma source(%dma_start3A_90 : memref<512x64xf32, #tpu.memory_space<vmem>>) target(%dma_start3A_86 : memref<512x64xf32, #tpu.memory_space<hbm>>) target_semaphore(%arg10 : memref<!tpu.dma_semaphore, #tpu.memory_space<semaphore_mem>>)
    %add3A_91 = arith.constant 32256 : i32
    %add3A_92 = arith.addi %mul3A_2, %add3A_91 : i32
    %dma_wait3A_93 = arith.constant 1 : i32
    %dma_wait3A_94 = arith.constant 0 : i32
    %dma_wait3A_95 = arith.constant 0 : i32
    %dma_wait3A_96 = tpu.memref_slice %arg6[%dma_wait3A_93, %dma_wait3A_94, %dma_wait3A_95] : memref<2x512x64xf32, #tpu.memory_space<vmem>> -> memref<1x512x64xf32, #tpu.memory_space<vmem>>
    %dma_wait3A_97 = tpu.memref_squeeze %dma_wait3A_96 : memref<1x512x64xf32, #tpu.memory_space<vmem>> -> memref<512x64xf32, #tpu.memory_space<vmem>>
    %dma_wait3A_98 = arith.constant 0 : i32
    %dma_wait3A_99 = tpu.memref_slice %arg4[%add3A_92, %dma_wait3A_98] : memref<1048576x64xf32, #tpu.memory_space<hbm>> -> memref<512x64xf32, #tpu.memory_space<hbm>>
    %dma_wait3A_100 = arith.constant 0 : i32
    %dma_wait3A_101 = tpu.memref_slice %arg4[%add3A_92, %dma_wait3A_100] : memref<1048576x64xf32, #tpu.memory_space<hbm>> -> memref<512x64xf32, #tpu.memory_space<hbm>>
    %dma_wait3A_102 = arith.constant 0 : i32
    %dma_wait3A_103 = arith.constant 0 : i32
    %dma_wait3A_104 = tpu.memref_slice %arg6[%dma_wait3A_93, %dma_wait3A_102, %dma_wait3A_103] : memref<2x512x64xf32, #tpu.memory_space<vmem>> -> memref<1x512x64xf32, #tpu.memory_space<vmem>>
    %dma_wait3A_105 = tpu.memref_squeeze %dma_wait3A_104 : memref<1x512x64xf32, #tpu.memory_space<vmem>> -> memref<512x64xf32, #tpu.memory_space<vmem>>
    tpu.wait_dma2 semaphore(%arg10 : memref<!tpu.dma_semaphore, #tpu.memory_space<semaphore_mem>>) src(%dma_wait3A_105 : memref<512x64xf32, #tpu.memory_space<vmem>>) dst(%dma_wait3A_101 : memref<512x64xf32, #tpu.memory_space<hbm>>)
    return
  }
}

</mosaic_0001>

<sc_bundles>
// kernel: kernel.3.cloned.1.call-start
scs
__scs_entry_jumppad:
0x0: {  	(pc) =	sbr.rel $0x88, $3  }
0x1: {  	(tag) =	ssettag $0x0;
	lr =	simm.s32 $0x1  }
0x2: {  	[smem:$0x3F9F] =	sst lr;
	_ =	strace $0xD0000000  }
0x3: {  	_ = 	snop  }
0x4: {  	_ = 	snop  }
0x5: {  	_ = 	snop  }
0x6: {  	_ = 	snop  }
0x7: {  	_ = 	snop  }
__scs_overlays_trampoline_lowered:
0x8: {  	[smem:$0x3FAE] =	sst s0  }
0x9: {  	[smem:$0x3FAF] =	sst s1  }
0xa: {  	[smem:$0x3FB0] =	sst s2  }
0xb: {  	[smem:$0x3FB1] =	sst s3  }
0xc: {  	[smem:$0x3FB2] =	sst s4  }
0xd: {  	[smem:$0x3FB3] =	sst s5  }
0xe: {  	[smem:$0x3FB4] =	sst s6  }
0xf: {  	[smem:$0x3FB5] =	sst s7  }
0x10: {  	[smem:$0x3FB6] =	sst s8  }
0x11: {  	[smem:$0x3FB7] =	sst s9;
	s0 =	simm.s32 @!p0 $0x0  }
0x12: {  	s1 =	sld [smem:$0x3F9D];
	s0 =	simm.s32 @p0 $0x1  }
0x13: {  	[smem:$0x3FB8] =	sst s0;
	s0 =	simm.s32 @!p1 $0x0  }
0x14: {  	s2 =	sld [smem:$0x3F9C];
	s0 =	simm.s32 @p1 $0x1  }
0x15: {  	[smem:$0x3FB9] =	sst s0;
	s0 =	simm.s32 @!p2 $0x0  }
0x16: {  	s3 =	sld [smem:$0x3FDB];
	s0 =	simm.s32 @p2 $0x1  }
0x17: {  	s4 =	simm.s32 $0x1BF5;
	[smem:$0x3FBB] =	sst s0  }
0x18: {  	s0 =	sld [smem:$0x3F9E];
	_ =	swait.ge [sflag:s4], $0x0  }
0x19: {  	s7 =	sld [smem:$0x3F9F]  }
0x1a: {  	s8 =	sadd.s32 $0xFFFFE003, lr  }
0x1b: {  	s9 =	sadd.s32 $0xFFFFFEF7, lr;
	s5 =	simm.s32 $0xFFFFFFFF;
	p2 =	slt.u32 s8, $0xFFFFF086  }
0x1c: {  	p1 =	slt.u32 s9, $0xF7A;
	s5 =	simm.s32 @!p2 $0x0  }
0x1d: {  	s5 =	simm.s32 @p1 $0x1;
	p0 =	seq.s32 s7, s2  }
0x1e: {  	s7 =	smul.u32 @!p0 $0xF7A, s2;
	p2 =	seq.s32 @!p0 s5, $0x0  }
0x1f: {  	s9 =	smul.u32 $0xF7A, s1;
	s8 =	simm.s32 @!p0 $0x1BF5;
	p2 =	por !p2, p0  }
0x20: {  	[sflag:s8] =	ssyncset.s32 @!p0 $0xFFFFF086;
	s6 =	sadd.s32 @!p0 s3, s7;
	s7 =	simm.s32 @!p0 $0x108  }
0x21: {  	s3 =	sadd.s32 s3, s9;
	s6 =	sadd.s32 @!p0 $0x88, s6;
	s7 =	simm.s32 @p2 $0x1082  }
0x22: {  	[simem:s7], [sflag:s8] =	dma.local @!p0 [hbm:s6], $0xF7A  }
0x23: {  	s9 =	sor.u32 $0xD0000000, s2;
	s6 =	simm.s32 $0x108;
	_ =	swait.ge @!p0 [sflag:s8], $0x0  }
0x24: {  	s3 =	sadd.s32 $0x88, s3;
	s6 =	simm.s32 @!p1 $0x1082;
	[sflag:s4] =	ssyncset.s32 $0xFFFFF086  }
0x25: {  	[simem:s6], [sflag:s4] =	dma.local [hbm:s3], $0xF7A  }
0x26: {  	[smem:$0x3F9F] =	sst s1;
	(tag) =	ssettag s2;
	_ =	strace s9  }
0x27: {  	s1 =	sld [smem:$0x3FAF]  }
0x28: {  	s2 =	sld [smem:$0x3FB0]  }
0x29: {  	s4 =	sld [smem:$0x3FB2]  }
0x2a: {  	p0 =	seq.s32 s5, $0x0;
	s5 =	sld [smem:$0x3FB3]  }
0x2b: {  	s6 =	sld [smem:$0x3FB4]  }
0x2c: {  	s7 =	sld [smem:$0x3FB5]  }
0x2d: {  	s3 =	simm.s32 $0x108;
	s8 =	sld [smem:$0x3FB6]  }
0x2e: {  	s3 =	simm.s32 @!p0 $0x1082;
	s9 =	sld [smem:$0x3FB7]  }
0x2f: {  	lr =	sadd.s32 s0, s3;
	s0 =	sld [smem:$0x3FAE]  }
0x30: {  	s3 =	sld [smem:$0x3FB1]  }
0x31: {  	[smem:$0x3FBA] =	sst s10  }
0x32: {  	s10 =	sld [smem:$0x3FB8];
	_ =	sdelay $0x3  }
0x33: {  	p0 =	seq.s32 s10, $0x1;
	s10 =	sld [smem:$0x3FBA];
	_ =	sdelay $0x3  }
0x34: {  	[smem:$0x3FBA] =	sst s10  }
0x35: {  	s10 =	sld [smem:$0x3FB9];
	_ =	sdelay $0x3  }
0x36: {  	p1 =	seq.s32 s10, $0x1;
	s10 =	sld [smem:$0x3FBA];
	_ =	sdelay $0x3  }
0x37: {  	[smem:$0x3FBA] =	sst s10  }
0x38: {  	s10 =	sld [smem:$0x3FBB]  }
0x39: {  	_ = 	snop;
	(pc) =	sbr.ind lr, $3  }
0x3a: {  	_ = 	snop  }
0x3b: {  	_ = 	snop  }
0x3c: {  	p2 =	seq.s32 s10, $0x1;
	s10 =	sld [smem:$0x3FBA]  }
0x3d: {  	_ =	shalt  }
0x3e: {  	_ =	shalt  }
0x3f: {  	_ =	shalt  }
0x40: {  	_ =	shalt  }
0x41: {  	_ =	shalt  }
0x42: {  	_ =	shalt  }
0x43: {  	_ =	shalt  }
0x44: {  	_ =	shalt  }
0x45: {  	_ =	shalt  }
0x46: {  	_ =	shalt  }
0x47: {  	_ =	shalt  }
0x48: {  	_ =	shalt  }
0x49: {  	_ =	shalt  }
0x4a: {  	_ =	shalt  }
0x4b: {  	_ =	shalt  }
0x4c: {  	_ =	shalt  }
0x4d: {  	_ =	shalt  }
0x4e: {  	_ =	shalt  }
0x4f: {  	_ =	shalt  }
0x50: {  	_ =	shalt  }
0x51: {  	_ =	shalt  }
0x52: {  	_ =	shalt  }
0x53: {  	_ =	shalt  }
0x54: {  	_ =	shalt  }
0x55: {  	_ =	shalt  }
0x56: {  	_ =	shalt  }
0x57: {  	_ =	shalt  }
0x58: {  	_ =	shalt  }
0x59: {  	_ =	shalt  }
0x5a: {  	_ =	shalt  }
0x5b: {  	_ =	shalt  }
0x5c: {  	_ =	shalt  }
0x5d: {  	_ =	shalt  }
0x5e: {  	_ =	shalt  }
0x5f: {  	_ =	shalt  }
0x60: {  	_ =	shalt  }
0x61: {  	_ =	shalt  }
0x62: {  	_ =	shalt  }
0x63: {  	_ =	shalt  }
0x64: {  	_ =	shalt  }
0x65: {  	_ =	shalt  }
0x66: {  	_ =	shalt  }
0x67: {  	_ =	shalt  }
0x68: {  	_ =	shalt  }
0x69: {  	_ =	shalt  }
0x6a: {  	_ =	shalt  }
0x6b: {  	_ =	shalt  }
0x6c: {  	_ =	shalt  }
0x6d: {  	_ =	shalt  }
0x6e: {  	_ =	shalt  }
0x6f: {  	_ =	shalt  }
0x70: {  	_ =	shalt  }
0x71: {  	_ =	shalt  }
0x72: {  	_ =	shalt  }
0x73: {  	_ =	shalt  }
0x74: {  	_ =	shalt  }
0x75: {  	_ =	shalt  }
0x76: {  	_ =	shalt  }
0x77: {  	_ =	shalt  }
0x78: {  	_ =	shalt  }
0x79: {  	_ =	shalt  }
0x7a: {  	_ =	shalt  }
0x7b: {  	_ =	shalt  }
0x7c: {  	_ =	shalt  }
0x7d: {  	_ =	shalt  }
0x7e: {  	_ =	shalt  }
0x7f: {  	_ =	shalt  }
0x80: {  	_ =	shalt  }
0x81: {  	_ =	shalt  }
0x82: {  	_ =	shalt  }
0x83: {  	_ =	shalt  }
0x84: {  	_ =	shalt  }
0x85: {  	_ =	shalt  }
0x86: {  	_ =	shalt  }
0x87: {  	_ =	shalt  }
.Lfunc_end0:
.L_simem_size_0:
called_computation.1_lowered:
.L_overlay_start_0:
0x88: {  	s2 =	sld [smem:$0x3FD9]  }
0x89: {  	s3 =	sld [smem:$0x3FFE];
	_ =	sdelay $0x1  }
0x8a: {  	s1 =	srdreg.scid  }
0x8b: {  	s0 =	sand.u32 $0x1, s1  }
0x8c: {  	s17 =	sshll.u32 s0, $0xA;
	s2 =	sadd.s32 s3, s2  }
0x8d: {  	s2 =	sadd.s32 s2, s17  }
0x8e: {  	[smem:$0x3FC6] =	sst s2  }
0x8f: {  	_ = 	snop  }
0x90: {  	s2 =	sld [smem:$0x3FC9]  }
0x91: {  	s18 =	sld [smem:$0x3FD0];
	(tm) =	ssettm $0x1  }
0x92: {  	s4 =	sld [smem:$0x3FFB];
	_ =	sdelay $0x3  }
0x93: {  	_ =	strace s4  }
0x94: {  	s4 =	sld [smem:$0x3FFC];
	_ =	sdelay $0x3  }
0x95: {  	_ =	strace s4  }
0x96: {  	s4 =	sld [smem:$0x3FFD];
	_ =	sdelay $0x3  }
0x97: {  	_ =	strace s4  }
0x98: {  	_ =	strace $0x8FFFFFFF  }
0x99: {  	s19 =	sld [smem:$0x3FDB];
	_ =	sdelay $0x1  }
0x9a: {  	s5 =	simm.s32 $_scs_section_size  }
0x9b: {  	s6 =	simm.s32 $_size__tile_overlayer_lowered;
	s7 =	simm.s32 $_tile_overlayer_lowered  }
0x9c: {  	s22 =	simm.s32 $0x1BFF;
	s21 =	sshll.u32 s7, $0x1;
	s4 =	sadd.s32 s5, s19  }
0x9d: {  	s8 =	simm.s32 $0x0;
	s20 =	sshll.u32 s6, $0x1;
	s6 =	sadd.s32 s21, s4  }
0x9e: {  	[timem:s8], [sflag:s22] =	dma.local [hbm:s6], s20  }
0x9f: {  	_ =	swait.ge [sflag:s22], s20  }
0xa0: {  	s5 =	ssub.s32 $0x0, s20;
	[sflag:s22] =	ssyncset.done $0x0  }
0xa1: {  	[sflag:s22] =	ssyncadd.s32 s5;
	_ =	sdelay $0x1  }
0xa2: {  	s23 =	simm.s32 $0x1B8B  }
0xa3: {  	_ =	swait.ge [sflag:s23], $0x1  }
0xa4: {  	[sflag:s23] =	ssyncset.done $0x0  }
0xa5: {  	s25 =	simm.s32 $0x1B8E;
	s24 =	sld [smem:$0x3FFE];
	[sflag:s23] =	ssyncadd.s32 $0xFFFFFFFF  }
0xa6: {  	s26 =	simm.s32 $execute0_lowered;
	[smem:$0x3FD2] =	sst s25  }
0xa7: {  	s6 =	sshll.u32 s26, $0x1;
	_ =	strace $0x80000046;
	[dreg:$0x1] =	wrdreg $0xFFFFFFFF  }
0xa8: {  	s28 =	simm.s32 $_size_execute0_lowered;
	s4 =	sadd.s32 s4, s6;
	[dreg:$0x0] =	wrdreg $0x0  }
0xa9: {  	s6 =	sshll.u32 s28, $0x1;
	[dreg:$0x2] =	wrdreg s4  }
0xaa: {  	[dreg:$0x3] =	wrdreg s6  }
0xab: {  	[dreg:$0x4] =	wrdreg $0xC0  }
0xac: {  	_ =	task [dreg:s8], $0x5FFFF  }
0xad: {  	[dreg:$0x1] =	wrdreg $0xFFFFFFFF  }
0xae: {  	[dreg:$0x0] =	wrdreg $0x60  }
0xaf: {  	[dreg:$0x2] =	wrdreg s2  }
0xb0: {  	[dreg:$0x3] =	wrdreg s24  }
0xb1: {  	[dreg:$0x4] =	wrdreg s18  }
0xb2: {  	[dreg:$0x5] =	wrdreg $0x9  }
0xb3: {  	_ =	task.clear_ibuf [dreg:s8], $0x6FFFF;
	_ =	strace $0x90000046  }
0xb4: {  	s29 =	simm.s32 $0x9;
	_ =	strace $0x80000048  }
0xb5: {  	_ =	swait.ge [sflag:s29], $0x1  }
0xb6: {  	[sflag:s29] =	ssyncadd.s32 $0xFFFFFFFF  }
0xb7: {  	_ =	strace $0x90000048  }
0xb8: {  	_ =	sfence  }
0xb9: {  	s30 =	sld [smem:$0x0];
	_ =	sdelay $0x2  }
0xba: {  	s31 =	sshll.u32 s1, $0xD;
	s1 =	sshrl.u32 s1, $0x2  }
0xbb: {  	s3 =	sand.u32 $0x4000, s31;
	s1 =	sadd.s32 s1, s30  }
0xbc: {  	s0 =	sor.u32 s3, s0;
	s1 =	sshll.u32 s1, $0x11  }
0xbd: {  	s0 =	sor.u32 s1, s0  }
0xbe: {  	s0 =	sadd.s32 $0x8F2B, s0  }
0xbf: {  	[sflag:s0] =	ssyncadd.remote.s32 $0x1  }
0xc0: {  	_ =	sfence.sel $0xFFFF  }
0xc1: {  	[dreg:$0x0] =	wrdreg $0xFFFFFFFF;
	(pc) =	sbr.abs _section_cstart, $3  }
0xc2: {  	[dreg:$0x1] =	wrdreg $0xFFFFFFFF  }
0xc3: {  	_ =	task.clear_ibuf [dreg:s8], $0x2FFFF;
	_ =	strace $0x9FFFFFFF  }
0xc4: {  	(tm) =	ssettm $0x7FFFFFFF  }
0xc5: {  	_ =	shalt  }
tec
execute0_lowered:
.L_overlay_start_1:
0x0: {  	(tag) =	ssettag $0x1  }
0x1: {  	s4 =	rddreg [dreg:$0x0]  }
0x2: {  	s3 =	rddreg [dreg:$0x1]  }
0x3: {  	s5 =	rddreg [dreg:$0x2]  }
0x4: {  	s0 =	rddreg [dreg:$0x3]  }
0x5: {  	s2 =	simm.s32 $0x0;
	s6 =	srdreg.scid;
	s1 =	stileid.u32  }
0x6: {  	s11 =	simm.s32 $0x8000;
	s12 =	simm.s32 $0x1;
	s13 =	simm.s32 $0x10000  }
0x7: {  	s14 =	simm.s32 $0x2;
	s15 =	simm.s32 $0x3;
	s16 =	simm.s32 $0x4  }
0x8: {  	s17 =	simm.s32 $0x0;
	[smem:$0x7FF] =	sst s2;
	s6 =	sand.u32 $0x1, s6  }
0x9: {  	s8 =	sshll.u32 s1, $0x10;
	s3 =	sadd.s32 $0x800, s3;
	s30 =	sshll.u32 s1, $0x13  }
0xa: {  	_ =	strace $0x80000047;
	s7 =	ssub.s32 $0x2, s6;
	s9 =	sshll.u32 s6, $0xF  }
0xb: {  	s6 =	sshll.u32 s6, $0x12;
	s10 =	sshrl.u32 s7, $0x1;
	s8 =	sor.u32 s9, s8  }
0xc: {  	s7 =	ssub.s32 s7, s10;
	s9 =	sshrl.u32 s8, $0x3;
	s8 =	sshll.u32 s8, $0x3  }
0xd: {  	s10 =	sadd.s32 s30, s5;
	s4 =	sadd.s32 s4, s9;
	s5 =	sadd.s32 s5, s8  }
0xe: {  	s31 =	sadd.s32 s6, s10;
	s7 =	smax.u32 s7, $0x1;
	s9 =	simm.s32 $0x5  }
0xf: {  	s10 =	simm.s32 $0x200;
	s6 =	sadd.s32 $0x3F000, s5;
	s8 =	sadd.s32 $0x2000, s31  }
.LBB2_1:
0x10: {  	[tilespmem:s2], [sflag:$0x5] =	stream.linear.gather [hbm4b:s4+s2], $0x8000, $0x38;
	[tilespmem:$0x18000] =	vst v63  }
0x11: {  	_ =	swait.ge [sflag:s9], $0x8000  }
0x12: {  	[sflag:s9] =	ssyncset.done $0x0  }
0x13: {  	[sflag:s9] =	ssyncadd.s32 $0xFFFF8000  }
0x14: {  	[tilespmem:s11], [sflag:$0x1] =	stream.indirect.gather [hbm4b:s3+s10], $0x40, s2, s10, $0xb8;
	[tilespmem:$0x18000] =	vst v63  }
0x15: {  	_ =	swait.ge [sflag:s12], $0x8000  }
0x16: {  	[sflag:s12] =	ssyncset.done $0x0  }
0x17: {  	[sflag:s12] =	ssyncadd.s32 $0xFFFF8000  }
0x18: {  	[hbm4b:s5+s2] =	stream.linear.scatter [tilespmem:s11], [sflag:$0x3], $0x8000, $0x38;
	[tilespmem:$0x18000] =	vst v63  }
0x19: {  	_ = 	snop  }
0x1a: {  	[tilespmem:s13], [sflag:$0x2] =	stream.indirect.gather [hbm4b:s3+s10], $0x40, s10, s10, $0xb8;
	[tilespmem:$0x18000] =	vst v63  }
0x1b: {  	_ =	swait.ge [sflag:s14], $0x8000  }
0x1c: {  	[sflag:s14] =	ssyncset.done $0x0  }
0x1d: {  	s18 =	sadd.s32 $0xFFFFF000, s8;
	[sflag:s14] =	ssyncadd.s32 $0xFFFF8000  }
0x1e: {  	[hbm4b:s18+s2] =	stream.linear.scatter [tilespmem:s13], [sflag:$0x4], $0x8000, $0x38;
	[tilespmem:$0x18000] =	vst v63  }
0x1f: {  	_ =	swait.ge [sflag:s15], $0x8000  }
0x20: {  	[sflag:s15] =	ssyncset.done $0x0  }
0x21: {  	s31 =	simm.s32 $0x400;
	[sflag:s15] =	ssyncadd.s32 $0xFFFF8000  }
0x22: {  	[tilespmem:s11], [sflag:$0x1] =	stream.indirect.gather [hbm4b:s3+s10], $0x40, s31, s10, $0xb8;
	[tilespmem:$0x18000] =	vst v63  }
0x23: {  	_ =	swait.ge [sflag:s12], $0x8000  }
0x24: {  	[sflag:s12] =	ssyncset.done $0x0  }
0x25: {  	[sflag:s12] =	ssyncadd.s32 $0xFFFF8000  }
0x26: {  	[hbm4b:s8+s2] =	stream.linear.scatter [tilespmem:s11], [sflag:$0x3], $0x8000, $0x38;
	[tilespmem:$0x18000] =	vst v63  }
0x27: {  	_ =	swait.ge [sflag:s16], $0x8000  }
0x28: {  	s20 =	simm.s32 $0x600;
	[sflag:s16] =	ssyncset.done $0x0  }
0x29: {  	s19 =	sadd.s32 $0x2000, s8;
	s18 =	simm.s32 $0x1000;
	[sflag:s16] =	ssyncadd.s32 $0xFFFF8000  }
.LBB2_2:
0x2a: {  	[tilespmem:s13], [sflag:$0x2] =	stream.indirect.gather [hbm4b:s3+s10], $0x40, s20, s10, $0xb8;
	[tilespmem:$0x18000] =	vst v63  }
0x2b: {  	s20 =	smov.u32 s18  }
0x2c: {  	p0 =	sne.s32 s18, $0x1E000;
	s18 =	sadd.s32 $0x1000, s18;
	_ =	swait.ge [sflag:s14], $0x8000  }
0x2d: {  	[sflag:s14] =	ssyncset.done $0x0  }
0x2e: {  	s21 =	sadd.s32 $0xFFFFF000, s19;
	[sflag:s14] =	ssyncadd.s32 $0xFFFF8000  }
0x2f: {  	[hbm4b:s21+s2] =	stream.linear.scatter [tilespmem:s13], [sflag:$0x4], $0x8000, $0x38;
	[tilespmem:$0x18000] =	vst v63  }
0x30: {  	_ =	swait.ge [sflag:s15], $0x8000  }
0x31: {  	s20 =	sshra.s32 s20, $0x2;
	[sflag:s15] =	ssyncset.done $0x0  }
0x32: {  	s21 =	sadd.s32 $0x400, s20;
	[sflag:s15] =	ssyncadd.s32 $0xFFFF8000  }
0x33: {  	[tilespmem:s11], [sflag:$0x1] =	stream.indirect.gather [hbm4b:s3+s10], $0x40, s21, s10, $0xb8;
	[tilespmem:$0x18000] =	vst v63  }
0x34: {  	_ =	swait.ge [sflag:s12], $0x8000  }
0x35: {  	[sflag:s12] =	ssyncset.done $0x0  }
.Ltmp0:
0x36: {  	[sflag:s12] =	ssyncadd.s32 $0xFFFF8000;
	(pc) =	sbr.rel @p0 .LBB2_2-.Ltmp0, $4  }
0x37: {  	[hbm4b:s19+s2] =	stream.linear.scatter [tilespmem:s11], [sflag:$0x3], $0x8000, $0x38;
	[tilespmem:$0x18000] =	vst v63  }
0x38: {  	_ =	swait.ge [sflag:s16], $0x8000  }
0x39: {  	[sflag:s16] =	ssyncset.done $0x0  }
0x3a: {  	s20 =	sadd.s32 $0x600, s20;
	s19 =	sadd.s32 $0x2000, s19;
	[sflag:s16] =	ssyncadd.s32 $0xFFFF8000  }
0x3b: {  	[tilespmem:s13], [sflag:$0x2] =	stream.indirect.gather [hbm4b:s3+s10], $0x40, s20, s10, $0xb8;
	[tilespmem:$0x18000] =	vst v63  }
0x3c: {  	_ =	swait.ge [sflag:s14], $0x8000  }
0x3d: {  	[sflag:s14] =	ssyncset.done $0x0  }
0x3e: {  	[sflag:s14] =	ssyncadd.s32 $0xFFFF8000  }
0x3f: {  	s17 =	sadd.s32 $0x1, s17;
	_ =	swait.ge [sflag:s15], $0x8000  }
0x40: {  	p0 =	sne.s32 s17, s7;
	[sflag:s15] =	ssyncset.done $0x0  }
.Ltmp1:
0x41: {  	[sflag:s15] =	ssyncadd.s32 $0xFFFF8000;
	(pc) =	sbr.rel @p0 .LBB2_1-.Ltmp1, $4  }
0x42: {  	[hbm4b:s6+s2] =	stream.linear.scatter [tilespmem:s13], [sflag:$0x4], $0x8000, $0x38;
	[tilespmem:$0x18000] =	vst v63  }
0x43: {  	_ =	swait.ge [sflag:s16], $0x8000  }
0x44: {  	[sflag:s16] =	ssyncset.done $0x0  }
0x45: {  	[sflag:s16] =	ssyncadd.s32 $0xFFFF8000  }
0x46: {  	_ =	sfence.sel $0x180000  }
0x47: {  	[bflag:$0x0] =	sbarrier.arrive $0xFFFF  }
0x48: {  	p0 =	sne.s32 s1, $0x0;
	_ =	strace $0x90000047  }
0x49: {  	s0 =	sadd.s32 @!p0 $0x100000, s0;
	[bflag:$0x2] =	sbarrier.arrive $0xFFFF  }
0x4a: {  	[sflag:s0] =	ssyncadd.tile.s32 @!p0 $0x1;
	_ =	shalt  }
.Lfunc_end2:
_tile_overlayer_lowered:
.L_overlay_start_2:
0x4b: {  	(tag) =	ssettag $0x2  }
0x4c: {  	s0 =	rddreg [dreg:$0x0];
	s2 =	stileid.u32  }
0x4d: {  	s1 =	rddreg [dreg:$0x1];
	p0 =	sne.s32 s2, $0x0  }
0x4e: {  	s3 =	rddreg [dreg:$0x2];
	[bflag:$0x3] =	sbarrier.arrive $0xFFFF;
	s2 =	simm.s32 @!p0 $0x1C05  }
0x4f: {  	[timem:s3], [sflag:s2] =	dma.local @!p0 [hbm:s0], s1  }
0x50: {  	s0 =	simm.s32 @!p0 $0x5  }
0x51: {  	_ =	swait.ge @!p0 [sflag:s0], s1  }
0x52: {  	s1 =	ssub.s32 @!p0 $0x0, s1;
	[sflag:s0] =	ssyncset.done @!p0 $0x0  }
0x53: {  	[sflag:s0] =	ssyncadd.s32 @!p0 s1  }
0x54: {  	[bflag:$0x3] =	sbarrier.arrive $0xFFFF  }
0x55: {  	_ =	shalt  }

// kernel: sparse-core-data-format-call.cloned.1.call-start
scs
called_computation_lowered:
.L_overlay_start_0:
0x0: {  	s2 =	sld [smem:$0x3FD9]  }
0x1: {  	s3 =	sld [smem:$0x3FFE];
	_ =	sdelay $0x1  }
0x2: {  	s1 =	srdreg.scid  }
0x3: {  	s0 =	sand.u32 $0x1, s1  }
0x4: {  	s18 =	sshll.u32 s0, $0xA;
	s2 =	sadd.s32 s3, s2  }
0x5: {  	s2 =	sadd.s32 s2, s18  }
0x6: {  	[smem:$0x3FC6] =	sst s2  }
0x7: {  	_ = 	snop  }
0x8: {  	s2 =	sld [smem:$0x3FD0];
	(tm) =	ssettm $0x1  }
0x9: {  	s19 =	sld [smem:$0x3FFB];
	_ =	sdelay $0x3  }
0xa: {  	_ =	strace s19  }
0xb: {  	s3 =	sld [smem:$0x3FFC];
	_ =	sdelay $0x3  }
0xc: {  	_ =	strace s3  }
0xd: {  	s3 =	sld [smem:$0x3FFD];
	_ =	sdelay $0x3  }
0xe: {  	_ =	strace s3  }
0xf: {  	_ =	strace $0x8FFFFFFF  }
0x10: {  	s20 =	sld [smem:$0x3FDB];
	_ =	sdelay $0x1  }
0x11: {  	s4 =	simm.s32 $_scs_section_size  }
0x12: {  	s5 =	simm.s32 $_size__tile_overlayer_lowered;
	s6 =	simm.s32 $_tile_overlayer_lowered  }
0x13: {  	s23 =	simm.s32 $0x1BFF;
	s22 =	sshll.u32 s6, $0x1;
	s3 =	sadd.s32 s4, s20  }
0x14: {  	s7 =	simm.s32 $0x0;
	s21 =	sshll.u32 s5, $0x1;
	s5 =	sadd.s32 s22, s3  }
0x15: {  	[timem:s7], [sflag:s23] =	dma.local [hbm:s5], s21  }
0x16: {  	_ =	swait.ge [sflag:s23], s21  }
0x17: {  	s4 =	ssub.s32 $0x0, s21;
	[sflag:s23] =	ssyncset.done $0x0  }
0x18: {  	[sflag:s23] =	ssyncadd.s32 s4;
	_ =	sdelay $0x1  }
0x19: {  	s24 =	simm.s32 $0x1B8B  }
0x1a: {  	_ =	swait.ge [sflag:s24], $0x1  }
0x1b: {  	[sflag:s24] =	ssyncset.done $0x0  }
0x1c: {  	s26 =	simm.s32 $0x1B8E;
	s25 =	sld [smem:$0x3FFE];
	[sflag:s24] =	ssyncadd.s32 $0xFFFFFFFF  }
0x1d: {  	s27 =	simm.s32 $execute0_lowered;
	[smem:$0x3FD2] =	sst s26  }
0x1e: {  	s5 =	sshll.u32 s27, $0x1;
	_ =	strace $0x80000049;
	[dreg:$0x1] =	wrdreg $0xFFFFFFFF  }
0x1f: {  	s28 =	simm.s32 $_size_execute0_lowered;
	s3 =	sadd.s32 s3, s5;
	[dreg:$0x0] =	wrdreg $0x0  }
0x20: {  	s5 =	sshll.u32 s28, $0x1;
	[dreg:$0x2] =	wrdreg s3  }
0x21: {  	[dreg:$0x3] =	wrdreg s5  }
0x22: {  	[dreg:$0x4] =	wrdreg $0xC0  }
0x23: {  	_ =	task [dreg:s7], $0x5FFFF  }
0x24: {  	[dreg:$0x1] =	wrdreg $0xFFFFFFFF  }
0x25: {  	[dreg:$0x0] =	wrdreg $0x60  }
0x26: {  	[dreg:$0x2] =	wrdreg s25  }
0x27: {  	[dreg:$0x3] =	wrdreg s2  }
0x28: {  	[dreg:$0x4] =	wrdreg $0x9  }
0x29: {  	_ =	task.clear_ibuf [dreg:s7], $0x5FFFF;
	_ =	strace $0x90000049  }
0x2a: {  	s29 =	simm.s32 $0x9;
	_ =	strace $0x8000004B  }
0x2b: {  	_ =	swait.ge [sflag:s29], $0x1  }
0x2c: {  	[sflag:s29] =	ssyncadd.s32 $0xFFFFFFFF  }
0x2d: {  	_ =	strace $0x9000004B  }
0x2e: {  	_ =	sfence  }
0x2f: {  	s30 =	sld [smem:$0x0];
	_ =	sdelay $0x2  }
0x30: {  	s31 =	sshll.u32 s1, $0xD;
	s1 =	sshrl.u32 s1, $0x2  }
0x31: {  	s3 =	sand.u32 $0x4000, s31;
	s1 =	sadd.s32 s1, s30  }
0x32: {  	s0 =	sor.u32 s3, s0;
	s1 =	sshll.u32 s1, $0x11  }
0x33: {  	s0 =	sor.u32 s1, s0  }
0x34: {  	s0 =	sadd.s32 $0x8F2B, s0  }
0x35: {  	[sflag:s0] =	ssyncadd.remote.s32 $0x1  }
0x36: {  	_ =	sfence.sel $0xFFFF  }
0x37: {  	[dreg:$0x0] =	wrdreg $0xFFFFFFFF;
	(pc) =	sbr.abs _section_cstart, $3  }
0x38: {  	[dreg:$0x1] =	wrdreg $0xFFFFFFFF  }
0x39: {  	_ =	task.clear_ibuf [dreg:s7], $0x2FFFF;
	_ =	strace $0x9FFFFFFF  }
0x3a: {  	(tm) =	ssettm $0x7FFFFFFF  }
0x3b: {  	_ =	shalt  }
tec
execute0_lowered:
.L_overlay_start_1:
0x0: {  	(tag) =	ssettag $0x1  }
0x1: {  	s0 =	srdreg.scid  }
0x2: {  	s1 =	sshll.u32 s0, $0x4  }
0x3: {  	s4 =	rddreg [dreg:$0x0];
	s0 =	stileid.u32;
	s1 =	sand.u32 $0x10, s1  }
0x4: {  	s2 =	rddreg [dreg:$0x1];
	s7 =	simm.s32 $0x1;
	s1 =	sor.u32 s0, s1  }
0x5: {  	s8 =	simm.s32 $0x2;
	s11 =	simm.s32 $0x0;
	s3 =	sshll.u32 s1, $0x7  }
0x6: {  	s10 =	simm.s32 $0x0;
	s4 =	sadd.s32 $0x800, s4;
	s6 =	ssub.s32 $0x100000, s3  }
.Ltmp0:
0x7: {  	s1 =	rddreg [dreg:$0x2];
	s5 =	sand.u32 $0xF80, s6;
	(pc) =	sbr.rel .LBB1_1-.Ltmp0, $4  }
0x8: {  	_ =	strace $0x8000004A;
	s9 =	smov.u32 s3;
	p0 =	sne.s32 s5, $0x0  }
0x9: {  	s6 =	sshrl.u32 s6, $0xC;
	s5 =	simm.s32 $0x1;
	s7 =	simm.s32 @!p0 $0x0  }
0xa: {  	[sflag:s5] =	ssyncpa.u1 $0x0;
	p0 =	por $0x0, $0x0;
	s6 =	sadd.s32 s7, s6  }
0xb: {  	[sflag:s8] =	ssyncpa.u1 $0x0;
	s8 =	simm.s32 $0x800000;
	s7 =	sadd.s32 $0x1, s6  }
.LBB1_4:
0xc: {  	s14 =	sshll.u32 s11, $0x3  }
0xd: {  	s15 =	sand.u32 $0x78, s11;
	s14 =	sand.u32 $0xFFC00, s14  }
0xe: {  	[tilespmem:s13+$0x810 ss:$0x81] =	vst.msk $0xffff, v2;
	s29 =	sand.u32 $0x7E0000, s11;
	s30 =	sand.u32 $0x7, s11;
	s14 =	sor.u32 s15, s14  }
0xf: {  	[tilespmem:s13+$0x1020 ss:$0x81] =	vst.msk $0xffff, v0;
	s11 =	sshll.u32 s30, $0x12;
	s15 =	sadd.s32 s2, s29;
	s14 =	sshrl.u32 s14, $0x3  }
0x10: {  	[tilespmem:s13+$0x0 ss:$0x81] =	vst.msk $0xffff, v1;
	s11 =	sor.u32 $0x400, s11;
	s31 =	sadd.s32 s14, s15  }
0x11: {  	[hbm4b:s31+s11] =	stream.strided.scatter [tilespmem:s12], [sflag:$0x2], $0x2000, s8, s11, $0x20;
	[tilespmem:$0x8080] =	vst v63  }
.LBB1_5:
0x12: {  	s13 =	sadd.s32 $0x1000, s9  }
0x13: {  	p2 =	sgt.s32 s13, $0xFFFFF  }
0x14: {  	s13 =	smov.u32 @p2 s3;
	p2 =	sne.s32 s10, s7  }
.Ltmp1:
0x15: {  	p1 =	slt.u32 s10, $0x2;
	(pc) =	sbr.rel @!p2 .LBB1_6-.Ltmp1, $4  }
0x16: {  	s12 =	simm.s32 @!p1 $0x2  }
0x17: {  	s14 =	sadd.s32 $0x1, s10;
	_ =	swait.ge @!p1 [sflag:s12], $0x2000  }
0x18: {  	s11 =	smov.u32 s9;
	p0 =	por !p0, !p0;
	[sflag:s12] =	ssyncset.done @!p1 $0x0  }
0x19: {  	s10 =	smov.u32 s14;
	s9 =	smov.u32 s13;
	[sflag:s12] =	ssyncadd.s32 @!p1 $0xFFFFE000  }
.LBB1_1:
0x1a: {  	p1 =	sge.u32 s10, s6  }
0x1b: {  	s31 =	sadd.s32 $0xFFFFFFFF, s10;
	s12 =	sxor.u32 @!p1 $0xFFFFFFFF, s10;
	s13 =	sshll.u32 @!p1 s9, $0x4  }
0x1c: {  	s14 =	simm.s32 @!p1 $0x40;
	s12 =	sshll.u32 @!p1 s12, $0xD;
	s13 =	sand.u32 @!p1 $0xFFFFF0, s13  }
0x1d: {  	s15 =	simm.s32 @!p1 $0x80;
	s12 =	sand.u32 @!p1 $0x2000, s12;
	s13 =	sadd.s32 @!p1 s4, s13  }
0x1e: {  	[tilespmem:s12], [sflag:$0x1] =	stream.strided.gather @!p1 [hbm4b:s13+s14], $0x2000, s15, s14, $0x38;
	[tilespmem:$0x8080] =	vst v63  }
0x1f: {  	p1 =	sge.u32 s31, s6  }
.Ltmp2:
0x20: {  	_ = 	snop;
	(pc) =	sbr.rel @p1 .LBB1_5-.Ltmp2, $1  }
0x21: {  	_ =	sdelay $0x3  }
0x22: {  	s12 =	simm.s32 $0x1  }
0x23: {  	_ =	swait.ge [sflag:s5], $0x2000;
	s12 =	simm.s32 @!p0 $0x0  }
0x24: {  	[sflag:s5] =	ssyncset.done $0x0;
	s13 =	sshll.u32 s12, $0xD  }
0x25: {  	[sflag:s5] =	ssyncadd.s32 $0xFFFFE000;
	s16 =	sor.u32 $0x20, s13  }
0x26: {  	s12 =	smul.u32 $0x8100, s12;
	v3 =	vld [tilespmem:s16+$0x10]  }
0x27: {  	s30 =	sand.u32 $0x1, s10;
	v2 =	vld [tilespmem:s16+$0xFFFFFFF0]  }
0x28: {  	s13 =	smul.u32 $0x8100, s30;
	s12 =	sshrl.u32 s12, $0x2;
	v0 =	vld [tilespmem:s16+$0x0]  }
0x29: {  	v1 =	vld [tilespmem:s16+$0xFFFFFFE0];
	s14 =	sor.u32 $0x4000, s12  }
0x2a: {  	s31 =	sshrl.u32 s13, $0x2;
	s13 =	sadd.s32 $0x0, s14  }
0x2b: {  	s15 =	simm.s32 $0x4;
	s16 =	sadd.s32 $0x40, s16;
	s12 =	sor.u32 $0x4000, s31;
	[tilespmem:s13+$0x1830 ss:$0x81] =	vst.msk $0xffff, v3  }
.LBB1_3:
0x2c: {  	v3 =	vld [tilespmem:s16+$0x10];
	p1 =	sne.s32 s15, $0x1FC;
	[tilespmem:s13+$0x810 ss:$0x81] =	vst.msk $0xffff, v2;
	s17 =	smov.u32 s15;
	s15 =	sadd.s32 $0x4, s15  }
.Ltmp3:
0x2d: {  	v2 =	vld [tilespmem:s16+$0xFFFFFFF0];
	[tilespmem:s13+$0x1020 ss:$0x81] =	vst.msk $0xffff, v0;
	(pc) =	sbr.rel @p1 .LBB1_3-.Ltmp3, $4  }
0x2e: {  	v0 =	vld [tilespmem:s16+$0x0];
	[tilespmem:s13+$0x0 ss:$0x81] =	vst.msk $0xffff, v1  }
0x2f: {  	s13 =	sshra.s32 s17, $0x2;
	v1 =	vld [tilespmem:s16+$0xFFFFFFE0]  }
0x30: {  	s13 =	sadd.s32 s13, s14  }
0x31: {  	s16 =	sadd.s32 $0x40, s16;
	[tilespmem:s13+$0x1830 ss:$0x81] =	vst.msk $0xffff, v3  }
.Ltmp4:
0x32: {  	_ = 	snop;
	(pc) =	sbr.rel .LBB1_4-.Ltmp4, $1  }
0x33: {  	_ =	sdelay $0x3  }
.LBB1_6:
0x34: {  	_ =	sfence.sel $0x180000  }
0x35: {  	s2 =	simm.s32 $0x1;
	[bflag:$0x0] =	sbarrier.arrive $0xFFFF  }
0x36: {  	s31 =	simm.s32 $0x2;
	[sflag:s2] =	ssyncpa.u1 $0x1  }
0x37: {  	[sflag:s31] =	ssyncpa.u1 $0x1  }
0x38: {  	p0 =	sne.s32 s0, $0x0;
	_ =	strace $0x9000004A  }
0x39: {  	s0 =	sadd.s32 @!p0 $0x100000, s1;
	[bflag:$0x2] =	sbarrier.arrive $0xFFFF  }
0x3a: {  	[sflag:s0] =	ssyncadd.tile.s32 @!p0 $0x1;
	_ =	shalt  }
.Lfunc_end1:
_tile_overlayer_lowered:
.L_overlay_start_2:
0x3b: {  	(tag) =	ssettag $0x2  }
0x3c: {  	s0 =	rddreg [dreg:$0x0];
	s2 =	stileid.u32  }
0x3d: {  	s1 =	rddreg [dreg:$0x1];
	p0 =	sne.s32 s2, $0x0  }
0x3e: {  	s3 =	rddreg [dreg:$0x2];
	[bflag:$0x3] =	sbarrier.arrive $0xFFFF;
	s2 =	simm.s32 @!p0 $0x1C01  }
0x3f: {  	[timem:s3], [sflag:s2] =	dma.local @!p0 [hbm:s0], s1  }
0x40: {  	s0 =	simm.s32 @!p0 $0x1  }
0x41: {  	_ =	swait.ge @!p0 [sflag:s0], s1  }
0x42: {  	s1 =	ssub.s32 @!p0 $0x0, s1;
	[sflag:s0] =	ssyncset.done @!p0 $0x0  }
0x43: {  	[sflag:s0] =	ssyncadd.s32 @!p0 s1  }
0x44: {  	[bflag:$0x3] =	sbarrier.arrive $0xFFFF  }
0x45: {  	_ =	shalt  }

</sc_bundles>
